<compile_context>
chip_gen: v7x
topology: tpu7x:2x2x1
jax: 0.10.2.dev20260603
libtpu: 0.0.44.dev20260713+nightly
codegen_flags: <defaults>
</compile_context>

<pallas_src>
import functools

import jax
import jax.numpy as jnp
from jax import lax
from jax.experimental import pallas as pl
from jax.experimental.pallas import tpu as pltpu
from jax.experimental.pallas import tpu_sc as plsc

_NC, _NS, _L = 2, 16, 16
_NW = _NC * _NS


def _lut_kernel(total, species_hbm, conv_hbm, out_hbm,
                spec_v, conv_v, out_v, sem_c, sem_s):
    chunk = total // _NW
    wid = lax.axis_index("s") * _NC + lax.axis_index("c")
    base = wid * chunk
    quarter = chunk // 4
    cp_c = pltpu.async_copy(conv_hbm, conv_v, sem_c)
    cp_s = pltpu.async_copy(species_hbm.at[pl.ds(base, chunk)], spec_v, sem_s)
    cp_c.wait()
    cp_s.wait()

    copies = []
    for q in range(4):
        lo = q * quarter

        @plsc.parallel_loop(lo, lo + quarter, step=_L, unroll=8)
        def _gather(off):
            idx = spec_v[pl.ds(off, _L)]
            out_v[pl.ds(off, _L)] = plsc.load_gather(conv_v, [idx])

        copies.append(pltpu.async_copy(
            out_v.at[pl.ds(lo, quarter)],
            out_hbm.at[pl.ds(base + lo, quarter)], sem_s))
    for cp in copies:
        cp.wait()


def kernel(species, coordinates, conv_tensor):
    shape = species.shape
    flat = species.reshape(-1)
    total = flat.shape[0]
    chunk = total // _NW
    one = ((conv_tensor[0] | 1) & 1).astype(coordinates.dtype)
    coords_out = coordinates * one
    mesh = plsc.VectorSubcoreMesh(
        core_axis_name="c", subcore_axis_name="s", num_cores=_NC,
        num_subcores=_NS)
    out = pl.kernel(
        functools.partial(_lut_kernel, total),
        out_type=jax.ShapeDtypeStruct((total,), jnp.int32),
        mesh=mesh,
        scratch_types=[
            pltpu.VMEM((chunk,), jnp.int32),
            pltpu.VMEM((conv_tensor.shape[0],), jnp.int32),
            pltpu.VMEM((chunk,), jnp.int32),
            pltpu.SemaphoreType.DMA,
            pltpu.SemaphoreType.DMA,
        ],
        compiler_params=pltpu.CompilerParams(needs_layout_passes=False),
    )(flat, conv_tensor)
    return (out.reshape(shape), coords_out)

# --- scband reference (transcript-rebuilt; emitter-appended) ---
"""Pipeline reference for scband-species-converter-33054068310394 (READ-ONLY COPY).

The authoritative reference and input builder live on the scoring server;
editing this copy changes nothing except your own understanding.
"""

import jax, jax.numpy as jnp
import numpy as np

# SpeciesConverter from torchani: conv_tensor maps atomic number -> internal index.
# Initialized with species=['H','C','N','O'] => atomic numbers H=1, C=6, N=7, O=8
# map to 0,1,2,3; everything else is -1. Table size = maxidx+2 = 118+2 = 120.

def _build_conv_tensor():
    conv = np.full((120,), -1, dtype=np.int32)
    for i, z in enumerate([1, 6, 7, 8]):  # H, C, N, O
        conv[z] = i
    return jnp.asarray(conv)


def setup_inputs(seed: int = 0) -> dict:
    key = jax.random.key(seed)
    k1, k2 = jax.random.split(key)
    B, A = 4096, 128
    species = jax.random.randint(k1, (B, A), 0, 119, dtype=jnp.int32)
    coordinates = jax.random.normal(k2, (B, A, 3), dtype=jnp.float32)
    conv_tensor = _build_conv_tensor()
    return {"species": species, "coordinates": coordinates, "conv_tensor": conv_tensor}


def reference(species, coordinates, conv_tensor):
    # forward: SpeciesCoordinates(self.conv_tensor[species], coordinates)
    species_idx = jnp.take(conv_tensor, species, axis=0)
    return (species_idx, coordinates)

if __name__ == "__main__":
    import jax
    _d = setup_inputs()
    print(jax.jit(kernel)(*tuple(_d.values())))

</pallas_src>

<mosaic_0001>
#map = affine_map<(d0, d1) -> (0)>
module attributes {stable_mosaic.version = 14 : i64} {
  func.func @_lut_kernel(%arg0: i32, %arg1: i32, %arg2: memref<524288xi32, #tpu.memory_space<hbm>>, %arg3: memref<120xi32, #tpu.memory_space<hbm>>, %arg4: memref<524288xi32, #tpu.memory_space<hbm>>, %arg5: memref<16384xi32, #tpu.memory_space<vmem>>, %arg6: memref<120xi32, #tpu.memory_space<vmem>>, %arg7: memref<16384xi32, #tpu.memory_space<vmem>>, %arg8: memref<!tpu.dma_semaphore, #tpu.memory_space<semaphore_mem>>, %arg9: memref<!tpu.dma_semaphore, #tpu.memory_space<semaphore_mem>>) attributes {dimension_semantics = [#tpu.dimension_semantics<core_parallel>, #tpu.dimension_semantics<subcore_parallel>], iteration_bounds = array<i64: 2, 16>, scalar_prefetch = 0 : i64, scratch_operands = 5 : i64, tpu.core_type = #tpu.core_type<sc_vector_subcore>, window_params = [{transform_indices = #map}, {transform_indices = #map}, {transform_indices = #map}]} {
    %mul3A = arith.constant 2 : i32
    %mul3A_0 = arith.muli %arg1, %mul3A : i32
    %add3A = arith.addi %mul3A_0, %arg0 : i32
    %mul3A_1 = arith.constant 16384 : i32
    %mul3A_2 = arith.muli %add3A, %mul3A_1 : i32
    tpu.enqueue_dma source(%arg3 : memref<120xi32, #tpu.memory_space<hbm>>) target(%arg6 : memref<120xi32, #tpu.memory_space<vmem>>) target_semaphore(%arg8 : memref<!tpu.dma_semaphore, #tpu.memory_space<semaphore_mem>>)
    %dma_start3A = tpu.memref_slice %arg2[%mul3A_2] : memref<524288xi32, #tpu.memory_space<hbm>> -> memref<16384xi32, #tpu.memory_space<hbm>>
    %dma_start3A_3 = tpu.memref_slice %arg2[%mul3A_2] : memref<524288xi32, #tpu.memory_space<hbm>> -> memref<16384xi32, #tpu.memory_space<hbm>>
    tpu.enqueue_dma source(%dma_start3A_3 : memref<16384xi32, #tpu.memory_space<hbm>>) target(%arg5 : memref<16384xi32, #tpu.memory_space<vmem>>) target_semaphore(%arg9 : memref<!tpu.dma_semaphore, #tpu.memory_space<semaphore_mem>>)
    tpu.wait_dma2 semaphore(%arg8 : memref<!tpu.dma_semaphore, #tpu.memory_space<semaphore_mem>>) src(%arg3 : memref<120xi32, #tpu.memory_space<hbm>>) dst(%arg6 : memref<120xi32, #tpu.memory_space<vmem>>)
    %dma_wait3A = tpu.memref_slice %arg2[%mul3A_2] : memref<524288xi32, #tpu.memory_space<hbm>> -> memref<16384xi32, #tpu.memory_space<hbm>>
    %dma_wait3A_4 = tpu.memref_slice %arg2[%mul3A_2] : memref<524288xi32, #tpu.memory_space<hbm>> -> memref<16384xi32, #tpu.memory_space<hbm>>
    tpu.wait_dma2 semaphore(%arg9 : memref<!tpu.dma_semaphore, #tpu.memory_space<semaphore_mem>>) src(%dma_wait3A_4 : memref<16384xi32, #tpu.memory_space<hbm>>) dst(%arg5 : memref<16384xi32, #tpu.memory_space<vmem>>)
    %parallel_loop3A = arith.constant 0 : i32
    %parallel_loop3A_5 = arith.constant 4096 : i32
    %parallel_loop3A_6 = arith.constant 16 : i32
    scf.for %parallel_loop3A_72 = %parallel_loop3A to %parallel_loop3A_5 step %parallel_loop3A_6  : i32 {
      %parallel_loop3A_73 = arith.index_cast %parallel_loop3A_72 : i32 to index
      %parallel_loop3A_74 = tpu.vector_load %arg5[%parallel_loop3A_73] {strides = array<i32>} : memref<16384xi32, #tpu.memory_space<vmem>>, vector<16xi32>,
      %parallel_loop3A_75 = tpu.vector_load_idx %arg6[%parallel_loop3A_74] : memref<120xi32, #tpu.memory_space<vmem>>[vector<16xi32>], vector<16xi32>,
      %parallel_loop3A_76 = arith.index_cast %parallel_loop3A_72 : i32 to index
      %parallel_loop3A_77 = tpu.vector_load %arg7[%parallel_loop3A_76] {strides = array<i32>} : memref<16384xi32, #tpu.memory_space<vmem>>, vector<16xi32>,
      tpu.vector_store %arg7[%parallel_loop3A_76], %parallel_loop3A_75 {strides = array<i32>} : memref<16384xi32, #tpu.memory_space<vmem>>, vector<16xi32>,
    } {sc.loop_unroll_factor = 8 : i64, sc.parallel_access}
    %add3A_7 = arith.constant 0 : i32
    %add3A_8 = arith.addi %mul3A_2, %add3A_7 : i32
    %dma_start3A_9 = arith.constant 0 : i32
    %dma_start3A_10 = tpu.memref_slice %arg7[%dma_start3A_9] : memref<16384xi32, #tpu.memory_space<vmem>> -> memref<4096xi32, #tpu.memory_space<vmem>>
    %dma_start3A_11 = tpu.memref_slice %arg4[%add3A_8] : memref<524288xi32, #tpu.memory_space<hbm>> -> memref<4096xi32, #tpu.memory_space<hbm>>
    %dma_start3A_12 = tpu.memref_slice %arg4[%add3A_8] : memref<524288xi32, #tpu.memory_space<hbm>> -> memref<4096xi32, #tpu.memory_space<hbm>>
    %dma_start3A_13 = arith.constant 0 : i32
    %dma_start3A_14 = tpu.memref_slice %arg7[%dma_start3A_13] : memref<16384xi32, #tpu.memory_space<vmem>> -> memref<4096xi32, #tpu.memory_space<vmem>>
    tpu.enqueue_dma source(%dma_start3A_14 : memref<4096xi32, #tpu.memory_space<vmem>>) target(%dma_start3A_12 : memref<4096xi32, #tpu.memory_space<hbm>>) target_semaphore(%arg9 : memref<!tpu.dma_semaphore, #tpu.memory_space<semaphore_mem>>)
    %parallel_loop3A_15 = arith.constant 4096 : i32
    %parallel_loop3A_16 = arith.constant 8192 : i32
    %parallel_loop3A_17 = arith.constant 16 : i32
    scf.for %parallel_loop3A_72 = %parallel_loop3A_15 to %parallel_loop3A_16 step %parallel_loop3A_17  : i32 {
      %parallel_loop3A_73 = arith.index_cast %parallel_loop3A_72 : i32 to index
      %parallel_loop3A_74 = tpu.vector_load %arg5[%parallel_loop3A_73] {strides = array<i32>} : memref<16384xi32, #tpu.memory_space<vmem>>, vector<16xi32>,
      %parallel_loop3A_75 = tpu.vector_load_idx %arg6[%parallel_loop3A_74] : memref<120xi32, #tpu.memory_space<vmem>>[vector<16xi32>], vector<16xi32>,
      %parallel_loop3A_76 = arith.index_cast %parallel_loop3A_72 : i32 to index
      %parallel_loop3A_77 = tpu.vector_load %arg7[%parallel_loop3A_76] {strides = array<i32>} : memref<16384xi32, #tpu.memory_space<vmem>>, vector<16xi32>,
      tpu.vector_store %arg7[%parallel_loop3A_76], %parallel_loop3A_75 {strides = array<i32>} : memref<16384xi32, #tpu.memory_space<vmem>>, vector<16xi32>,
    } {sc.loop_unroll_factor = 8 : i64, sc.parallel_access}
    %add3A_18 = arith.constant 4096 : i32
    %add3A_19 = arith.addi %mul3A_2, %add3A_18 : i32
    %dma_start3A_20 = arith.constant 4096 : i32
    %dma_start3A_21 = tpu.memref_slice %arg7[%dma_start3A_20] : memref<16384xi32, #tpu.memory_space<vmem>> -> memref<4096xi32, #tpu.memory_space<vmem>>
    %dma_start3A_22 = tpu.memref_slice %arg4[%add3A_19] : memref<524288xi32, #tpu.memory_space<hbm>> -> memref<4096xi32, #tpu.memory_space<hbm>>
    %dma_start3A_23 = tpu.memref_slice %arg4[%add3A_19] : memref<524288xi32, #tpu.memory_space<hbm>> -> memref<4096xi32, #tpu.memory_space<hbm>>
    %dma_start3A_24 = arith.constant 4096 : i32
    %dma_start3A_25 = tpu.memref_slice %arg7[%dma_start3A_24] : memref<16384xi32, #tpu.memory_space<vmem>> -> memref<4096xi32, #tpu.memory_space<vmem>>
    tpu.enqueue_dma source(%dma_start3A_25 : memref<4096xi32, #tpu.memory_space<vmem>>) target(%dma_start3A_23 : memref<4096xi32, #tpu.memory_space<hbm>>) target_semaphore(%arg9 : memref<!tpu.dma_semaphore, #tpu.memory_space<semaphore_mem>>)
    %parallel_loop3A_26 = arith.constant 8192 : i32
    %parallel_loop3A_27 = arith.constant 12288 : i32
    %parallel_loop3A_28 = arith.constant 16 : i32
    scf.for %parallel_loop3A_72 = %parallel_loop3A_26 to %parallel_loop3A_27 step %parallel_loop3A_28  : i32 {
      %parallel_loop3A_73 = arith.index_cast %parallel_loop3A_72 : i32 to index
      %parallel_loop3A_74 = tpu.vector_load %arg5[%parallel_loop3A_73] {strides = array<i32>} : memref<16384xi32, #tpu.memory_space<vmem>>, vector<16xi32>,
      %parallel_loop3A_75 = tpu.vector_load_idx %arg6[%parallel_loop3A_74] : memref<120xi32, #tpu.memory_space<vmem>>[vector<16xi32>], vector<16xi32>,
      %parallel_loop3A_76 = arith.index_cast %parallel_loop3A_72 : i32 to index
      %parallel_loop3A_77 = tpu.vector_load %arg7[%parallel_loop3A_76] {strides = array<i32>} : memref<16384xi32, #tpu.memory_space<vmem>>, vector<16xi32>,
      tpu.vector_store %arg7[%parallel_loop3A_76], %parallel_loop3A_75 {strides = array<i32>} : memref<16384xi32, #tpu.memory_space<vmem>>, vector<16xi32>,
    } {sc.loop_unroll_factor = 8 : i64, sc.parallel_access}
    %add3A_29 = arith.constant 8192 : i32
    %add3A_30 = arith.addi %mul3A_2, %add3A_29 : i32
    %dma_start3A_31 = arith.constant 8192 : i32
    %dma_start3A_32 = tpu.memref_slice %arg7[%dma_start3A_31] : memref<16384xi32, #tpu.memory_space<vmem>> -> memref<4096xi32, #tpu.memory_space<vmem>>
    %dma_start3A_33 = tpu.memref_slice %arg4[%add3A_30] : memref<524288xi32, #tpu.memory_space<hbm>> -> memref<4096xi32, #tpu.memory_space<hbm>>
    %dma_start3A_34 = tpu.memref_slice %arg4[%add3A_30] : memref<524288xi32, #tpu.memory_space<hbm>> -> memref<4096xi32, #tpu.memory_space<hbm>>
    %dma_start3A_35 = arith.constant 8192 : i32
    %dma_start3A_36 = tpu.memref_slice %arg7[%dma_start3A_35] : memref<16384xi32, #tpu.memory_space<vmem>> -> memref<4096xi32, #tpu.memory_space<vmem>>
    tpu.enqueue_dma source(%dma_start3A_36 : memref<4096xi32, #tpu.memory_space<vmem>>) target(%dma_start3A_34 : memref<4096xi32, #tpu.memory_space<hbm>>) target_semaphore(%arg9 : memref<!tpu.dma_semaphore, #tpu.memory_space<semaphore_mem>>)
    %parallel_loop3A_37 = arith.constant 12288 : i32
    %parallel_loop3A_38 = arith.constant 16384 : i32
    %parallel_loop3A_39 = arith.constant 16 : i32
    scf.for %parallel_loop3A_72 = %parallel_loop3A_37 to %parallel_loop3A_38 step %parallel_loop3A_39  : i32 {
      %parallel_loop3A_73 = arith.index_cast %parallel_loop3A_72 : i32 to index
      %parallel_loop3A_74 = tpu.vector_load %arg5[%parallel_loop3A_73] {strides = array<i32>} : memref<16384xi32, #tpu.memory_space<vmem>>, vector<16xi32>,
      %parallel_loop3A_75 = tpu.vector_load_idx %arg6[%parallel_loop3A_74] : memref<120xi32, #tpu.memory_space<vmem>>[vector<16xi32>], vector<16xi32>,
      %parallel_loop3A_76 = arith.index_cast %parallel_loop3A_72 : i32 to index
      %parallel_loop3A_77 = tpu.vector_load %arg7[%parallel_loop3A_76] {strides = array<i32>} : memref<16384xi32, #tpu.memory_space<vmem>>, vector<16xi32>,
      tpu.vector_store %arg7[%parallel_loop3A_76], %parallel_loop3A_75 {strides = array<i32>} : memref<16384xi32, #tpu.memory_space<vmem>>, vector<16xi32>,
    } {sc.loop_unroll_factor = 8 : i64, sc.parallel_access}
    %add3A_40 = arith.constant 12288 : i32
    %add3A_41 = arith.addi %mul3A_2, %add3A_40 : i32
    %dma_start3A_42 = arith.constant 12288 : i32
    %dma_start3A_43 = tpu.memref_slice %arg7[%dma_start3A_42] : memref<16384xi32, #tpu.memory_space<vmem>> -> memref<4096xi32, #tpu.memory_space<vmem>>
    %dma_start3A_44 = tpu.memref_slice %arg4[%add3A_41] : memref<524288xi32, #tpu.memory_space<hbm>> -> memref<4096xi32, #tpu.memory_space<hbm>>
    %dma_start3A_45 = tpu.memref_slice %arg4[%add3A_41] : memref<524288xi32, #tpu.memory_space<hbm>> -> memref<4096xi32, #tpu.memory_space<hbm>>
    %dma_start3A_46 = arith.constant 12288 : i32
    %dma_start3A_47 = tpu.memref_slice %arg7[%dma_start3A_46] : memref<16384xi32, #tpu.memory_space<vmem>> -> memref<4096xi32, #tpu.memory_space<vmem>>
    tpu.enqueue_dma source(%dma_start3A_47 : memref<4096xi32, #tpu.memory_space<vmem>>) target(%dma_start3A_45 : memref<4096xi32, #tpu.memory_space<hbm>>) target_semaphore(%arg9 : memref<!tpu.dma_semaphore, #tpu.memory_space<semaphore_mem>>)
    %dma_wait3A_48 = arith.constant 0 : i32
    %dma_wait3A_49 = tpu.memref_slice %arg7[%dma_wait3A_48] : memref<16384xi32, #tpu.memory_space<vmem>> -> memref<4096xi32, #tpu.memory_space<vmem>>
    %dma_wait3A_50 = tpu.memref_slice %arg4[%add3A_8] : memref<524288xi32, #tpu.memory_space<hbm>> -> memref<4096xi32, #tpu.memory_space<hbm>>
    %dma_wait3A_51 = tpu.memref_slice %arg4[%add3A_8] : memref<524288xi32, #tpu.memory_space<hbm>> -> memref<4096xi32, #tpu.memory_space<hbm>>
    %dma_wait3A_52 = arith.constant 0 : i32
    %dma_wait3A_53 = tpu.memref_slice %arg7[%dma_wait3A_52] : memref<16384xi32, #tpu.memory_space<vmem>> -> memref<4096xi32, #tpu.memory_space<vmem>>
    tpu.wait_dma2 semaphore(%arg9 : memref<!tpu.dma_semaphore, #tpu.memory_space<semaphore_mem>>) src(%dma_wait3A_53 : memref<4096xi32, #tpu.memory_space<vmem>>) dst(%dma_wait3A_51 : memref<4096xi32, #tpu.memory_space<hbm>>)
    %dma_wait3A_54 = arith.constant 4096 : i32
    %dma_wait3A_55 = tpu.memref_slice %arg7[%dma_wait3A_54] : memref<16384xi32, #tpu.memory_space<vmem>> -> memref<4096xi32, #tpu.memory_space<vmem>>
    %dma_wait3A_56 = tpu.memref_slice %arg4[%add3A_19] : memref<524288xi32, #tpu.memory_space<hbm>> -> memref<4096xi32, #tpu.memory_space<hbm>>
    %dma_wait3A_57 = tpu.memref_slice %arg4[%add3A_19] : memref<524288xi32, #tpu.memory_space<hbm>> -> memref<4096xi32, #tpu.memory_space<hbm>>
    %dma_wait3A_58 = arith.constant 4096 : i32
    %dma_wait3A_59 = tpu.memref_slice %arg7[%dma_wait3A_58] : memref<16384xi32, #tpu.memory_space<vmem>> -> memref<4096xi32, #tpu.memory_space<vmem>>
    tpu.wait_dma2 semaphore(%arg9 : memref<!tpu.dma_semaphore, #tpu.memory_space<semaphore_mem>>) src(%dma_wait3A_59 : memref<4096xi32, #tpu.memory_space<vmem>>) dst(%dma_wait3A_57 : memref<4096xi32, #tpu.memory_space<hbm>>)
    %dma_wait3A_60 = arith.constant 8192 : i32
    %dma_wait3A_61 = tpu.memref_slice %arg7[%dma_wait3A_60] : memref<16384xi32, #tpu.memory_space<vmem>> -> memref<4096xi32, #tpu.memory_space<vmem>>
    %dma_wait3A_62 = tpu.memref_slice %arg4[%add3A_30] : memref<524288xi32, #tpu.memory_space<hbm>> -> memref<4096xi32, #tpu.memory_space<hbm>>
    %dma_wait3A_63 = tpu.memref_slice %arg4[%add3A_30] : memref<524288xi32, #tpu.memory_space<hbm>> -> memref<4096xi32, #tpu.memory_space<hbm>>
    %dma_wait3A_64 = arith.constant 8192 : i32
    %dma_wait3A_65 = tpu.memref_slice %arg7[%dma_wait3A_64] : memref<16384xi32, #tpu.memory_space<vmem>> -> memref<4096xi32, #tpu.memory_space<vmem>>
    tpu.wait_dma2 semaphore(%arg9 : memref<!tpu.dma_semaphore, #tpu.memory_space<semaphore_mem>>) src(%dma_wait3A_65 : memref<4096xi32, #tpu.memory_space<vmem>>) dst(%dma_wait3A_63 : memref<4096xi32, #tpu.memory_space<hbm>>)
    %dma_wait3A_66 = arith.constant 12288 : i32
    %dma_wait3A_67 = tpu.memref_slice %arg7[%dma_wait3A_66] : memref<16384xi32, #tpu.memory_space<vmem>> -> memref<4096xi32, #tpu.memory_space<vmem>>
    %dma_wait3A_68 = tpu.memref_slice %arg4[%add3A_41] : memref<524288xi32, #tpu.memory_space<hbm>> -> memref<4096xi32, #tpu.memory_space<hbm>>
    %dma_wait3A_69 = tpu.memref_slice %arg4[%add3A_41] : memref<524288xi32, #tpu.memory_space<hbm>> -> memref<4096xi32, #tpu.memory_space<hbm>>
    %dma_wait3A_70 = arith.constant 12288 : i32
    %dma_wait3A_71 = tpu.memref_slice %arg7[%dma_wait3A_70] : memref<16384xi32, #tpu.memory_space<vmem>> -> memref<4096xi32, #tpu.memory_space<vmem>>
    tpu.wait_dma2 semaphore(%arg9 : memref<!tpu.dma_semaphore, #tpu.memory_space<semaphore_mem>>) src(%dma_wait3A_71 : memref<4096xi32, #tpu.memory_space<vmem>>) dst(%dma_wait3A_69 : memref<4096xi32, #tpu.memory_space<hbm>>)
    return
  }
}

</mosaic_0001>

<sc_bundles>
// kernel: kernel.3.cloned.1.call-start
scs
__scs_entry_jumppad:
0x0: {  	(pc) =	sbr.rel $0x88, $3  }
0x1: {  	(tag) =	ssettag $0x0;
	lr =	simm.s32 $0x1  }
0x2: {  	[smem:$0x3F9E] =	sst lr;
	_ =	strace $0xD0000000  }
0x3: {  	_ = 	snop  }
0x4: {  	_ = 	snop  }
0x5: {  	_ = 	snop  }
0x6: {  	_ = 	snop  }
0x7: {  	_ = 	snop  }
__scs_overlays_trampoline_lowered:
0x8: {  	[smem:$0x3FAD] =	sst s0  }
0x9: {  	[smem:$0x3FAE] =	sst s1  }
0xa: {  	[smem:$0x3FAF] =	sst s2  }
0xb: {  	[smem:$0x3FB0] =	sst s3  }
0xc: {  	[smem:$0x3FB1] =	sst s4  }
0xd: {  	[smem:$0x3FB2] =	sst s5  }
0xe: {  	[smem:$0x3FB3] =	sst s6  }
0xf: {  	[smem:$0x3FB4] =	sst s7  }
0x10: {  	[smem:$0x3FB5] =	sst s8  }
0x11: {  	[smem:$0x3FB6] =	sst s9;
	s0 =	simm.s32 @!p0 $0x0  }
0x12: {  	s1 =	sld [smem:$0x3F9C];
	s0 =	simm.s32 @p0 $0x1  }
0x13: {  	[smem:$0x3FB7] =	sst s0;
	s0 =	simm.s32 @!p1 $0x0  }
0x14: {  	s2 =	sld [smem:$0x3F9B];
	s0 =	simm.s32 @p1 $0x1  }
0x15: {  	[smem:$0x3FB8] =	sst s0;
	s0 =	simm.s32 @!p2 $0x0  }
0x16: {  	s3 =	sld [smem:$0x3FDB];
	s0 =	simm.s32 @p2 $0x1  }
0x17: {  	s4 =	simm.s32 $0x1BF5;
	[smem:$0x3FBA] =	sst s0  }
0x18: {  	s0 =	sld [smem:$0x3F9D];
	_ =	swait.ge [sflag:s4], $0x0  }
0x19: {  	s7 =	sld [smem:$0x3F9E]  }
0x1a: {  	s8 =	sadd.s32 $0xFFFFE003, lr  }
0x1b: {  	s9 =	sadd.s32 $0xFFFFFEF7, lr;
	s5 =	simm.s32 $0xFFFFFFFF;
	p2 =	slt.u32 s8, $0xFFFFF086  }
0x1c: {  	p1 =	slt.u32 s9, $0xF7A;
	s5 =	simm.s32 @!p2 $0x0  }
0x1d: {  	s5 =	simm.s32 @p1 $0x1;
	p0 =	seq.s32 s7, s2  }
0x1e: {  	s7 =	smul.u32 @!p0 $0xF7A, s2;
	p2 =	seq.s32 @!p0 s5, $0x0  }
0x1f: {  	s9 =	smul.u32 $0xF7A, s1;
	s8 =	simm.s32 @!p0 $0x1BF5;
	p2 =	por !p2, p0  }
0x20: {  	[sflag:s8] =	ssyncset.s32 @!p0 $0xFFFFF086;
	s6 =	sadd.s32 @!p0 s3, s7;
	s7 =	simm.s32 @!p0 $0x108  }
0x21: {  	s3 =	sadd.s32 s3, s9;
	s6 =	sadd.s32 @!p0 $0x88, s6;
	s7 =	simm.s32 @p2 $0x1082  }
0x22: {  	[simem:s7], [sflag:s8] =	dma.local @!p0 [hbm:s6], $0xF7A  }
0x23: {  	s9 =	sor.u32 $0xD0000000, s2;
	s6 =	simm.s32 $0x108;
	_ =	swait.ge @!p0 [sflag:s8], $0x0  }
0x24: {  	s3 =	sadd.s32 $0x88, s3;
	s6 =	simm.s32 @!p1 $0x1082;
	[sflag:s4] =	ssyncset.s32 $0xFFFFF086  }
0x25: {  	[simem:s6], [sflag:s4] =	dma.local [hbm:s3], $0xF7A  }
0x26: {  	[smem:$0x3F9E] =	sst s1;
	(tag) =	ssettag s2;
	_ =	strace s9  }
0x27: {  	s1 =	sld [smem:$0x3FAE]  }
0x28: {  	s2 =	sld [smem:$0x3FAF]  }
0x29: {  	s4 =	sld [smem:$0x3FB1]  }
0x2a: {  	p0 =	seq.s32 s5, $0x0;
	s5 =	sld [smem:$0x3FB2]  }
0x2b: {  	s6 =	sld [smem:$0x3FB3]  }
0x2c: {  	s7 =	sld [smem:$0x3FB4]  }
0x2d: {  	s3 =	simm.s32 $0x108;
	s8 =	sld [smem:$0x3FB5]  }
0x2e: {  	s3 =	simm.s32 @!p0 $0x1082;
	s9 =	sld [smem:$0x3FB6]  }
0x2f: {  	lr =	sadd.s32 s0, s3;
	s0 =	sld [smem:$0x3FAD]  }
0x30: {  	s3 =	sld [smem:$0x3FB0]  }
0x31: {  	[smem:$0x3FB9] =	sst s10  }
0x32: {  	s10 =	sld [smem:$0x3FB7];
	_ =	sdelay $0x3  }
0x33: {  	p0 =	seq.s32 s10, $0x1;
	s10 =	sld [smem:$0x3FB9];
	_ =	sdelay $0x3  }
0x34: {  	[smem:$0x3FB9] =	sst s10  }
0x35: {  	s10 =	sld [smem:$0x3FB8];
	_ =	sdelay $0x3  }
0x36: {  	p1 =	seq.s32 s10, $0x1;
	s10 =	sld [smem:$0x3FB9];
	_ =	sdelay $0x3  }
0x37: {  	[smem:$0x3FB9] =	sst s10  }
0x38: {  	s10 =	sld [smem:$0x3FBA]  }
0x39: {  	_ = 	snop;
	(pc) =	sbr.ind lr, $3  }
0x3a: {  	_ = 	snop  }
0x3b: {  	_ = 	snop  }
0x3c: {  	p2 =	seq.s32 s10, $0x1;
	s10 =	sld [smem:$0x3FB9]  }
0x3d: {  	_ =	shalt  }
0x3e: {  	_ =	shalt  }
0x3f: {  	_ =	shalt  }
0x40: {  	_ =	shalt  }
0x41: {  	_ =	shalt  }
0x42: {  	_ =	shalt  }
0x43: {  	_ =	shalt  }
0x44: {  	_ =	shalt  }
0x45: {  	_ =	shalt  }
0x46: {  	_ =	shalt  }
0x47: {  	_ =	shalt  }
0x48: {  	_ =	shalt  }
0x49: {  	_ =	shalt  }
0x4a: {  	_ =	shalt  }
0x4b: {  	_ =	shalt  }
0x4c: {  	_ =	shalt  }
0x4d: {  	_ =	shalt  }
0x4e: {  	_ =	shalt  }
0x4f: {  	_ =	shalt  }
0x50: {  	_ =	shalt  }
0x51: {  	_ =	shalt  }
0x52: {  	_ =	shalt  }
0x53: {  	_ =	shalt  }
0x54: {  	_ =	shalt  }
0x55: {  	_ =	shalt  }
0x56: {  	_ =	shalt  }
0x57: {  	_ =	shalt  }
0x58: {  	_ =	shalt  }
0x59: {  	_ =	shalt  }
0x5a: {  	_ =	shalt  }
0x5b: {  	_ =	shalt  }
0x5c: {  	_ =	shalt  }
0x5d: {  	_ =	shalt  }
0x5e: {  	_ =	shalt  }
0x5f: {  	_ =	shalt  }
0x60: {  	_ =	shalt  }
0x61: {  	_ =	shalt  }
0x62: {  	_ =	shalt  }
0x63: {  	_ =	shalt  }
0x64: {  	_ =	shalt  }
0x65: {  	_ =	shalt  }
0x66: {  	_ =	shalt  }
0x67: {  	_ =	shalt  }
0x68: {  	_ =	shalt  }
0x69: {  	_ =	shalt  }
0x6a: {  	_ =	shalt  }
0x6b: {  	_ =	shalt  }
0x6c: {  	_ =	shalt  }
0x6d: {  	_ =	shalt  }
0x6e: {  	_ =	shalt  }
0x6f: {  	_ =	shalt  }
0x70: {  	_ =	shalt  }
0x71: {  	_ =	shalt  }
0x72: {  	_ =	shalt  }
0x73: {  	_ =	shalt  }
0x74: {  	_ =	shalt  }
0x75: {  	_ =	shalt  }
0x76: {  	_ =	shalt  }
0x77: {  	_ =	shalt  }
0x78: {  	_ =	shalt  }
0x79: {  	_ =	shalt  }
0x7a: {  	_ =	shalt  }
0x7b: {  	_ =	shalt  }
0x7c: {  	_ =	shalt  }
0x7d: {  	_ =	shalt  }
0x7e: {  	_ =	shalt  }
0x7f: {  	_ =	shalt  }
0x80: {  	_ =	shalt  }
0x81: {  	_ =	shalt  }
0x82: {  	_ =	shalt  }
0x83: {  	_ =	shalt  }
0x84: {  	_ =	shalt  }
0x85: {  	_ =	shalt  }
0x86: {  	_ =	shalt  }
0x87: {  	_ =	shalt  }
.Lfunc_end0:
.L_simem_size_0:
called_computation_lowered:
.L_overlay_start_0:
0x88: {  	s2 =	sld [smem:$0x3FD9]  }
0x89: {  	s3 =	sld [smem:$0x3FFE];
	_ =	sdelay $0x1  }
0x8a: {  	s1 =	srdreg.scid  }
0x8b: {  	s0 =	sand.u32 $0x1, s1  }
0x8c: {  	s15 =	sshll.u32 s0, $0xA;
	s2 =	sadd.s32 s3, s2  }
0x8d: {  	s2 =	sadd.s32 s2, s15  }
0x8e: {  	[smem:$0x3FC5] =	sst s2  }
0x8f: {  	_ = 	snop  }
0x90: {  	s2 =	sld [smem:$0x3FD0];
	_ =	sdelay $0x1  }
0x91: {  	s16 =	sld [smem:$0x3FC9]  }
0x92: {  	s5 =	simm.s32 $0xA;
	s6 =	simm.s32 $0x10;
	s4 =	sld [smem:$0x3FC7]  }
0x93: {  	[smem:s6], [sflag:s5] =	dma.local [hbm:s2], $0x1  }
0x94: {  	_ =	swait.eq [sflag:s5], $0x1  }
0x95: {  	[sflag:s5] =	ssyncset.done $0x0  }
0x96: {  	[sflag:s5] =	ssyncadd.s32 $0xFFFFFFFF  }
0x97: {  	s17 =	sld [smem:$0x10];
	(tm) =	ssettm $0x1  }
0x98: {  	s18 =	sld [smem:$0x3FFB];
	_ =	sdelay $0x3  }
0x99: {  	_ =	strace s18  }
0x9a: {  	s5 =	sld [smem:$0x3FFC];
	_ =	sdelay $0x3  }
0x9b: {  	_ =	strace s5  }
0x9c: {  	s5 =	sld [smem:$0x3FFD];
	_ =	sdelay $0x3  }
0x9d: {  	_ =	strace s5  }
0x9e: {  	_ =	strace $0x8FFFFFFF  }
0x9f: {  	s19 =	sld [smem:$0x3FDB];
	_ =	sdelay $0x1  }
0xa0: {  	s20 =	simm.s32 $_scs_section_size  }
0xa1: {  	s7 =	simm.s32 $_size__tile_overlayer_lowered;
	s8 =	simm.s32 $_tile_overlayer_lowered  }
0xa2: {  	s23 =	simm.s32 $0x1BFF;
	s22 =	sshll.u32 s8, $0x1;
	s5 =	sadd.s32 s20, s19  }
0xa3: {  	s9 =	simm.s32 $0x0;
	s21 =	sshll.u32 s7, $0x1;
	s7 =	sadd.s32 s22, s5  }
0xa4: {  	[timem:s9], [sflag:s23] =	dma.local [hbm:s7], s21  }
0xa5: {  	_ =	swait.ge [sflag:s23], s21  }
0xa6: {  	s6 =	ssub.s32 $0x0, s21;
	[sflag:s23] =	ssyncset.done $0x0  }
0xa7: {  	[sflag:s23] =	ssyncadd.s32 s6;
	_ =	sdelay $0x1  }
0xa8: {  	s24 =	simm.s32 $0x1B8B  }
0xa9: {  	_ =	swait.ge [sflag:s24], $0x1  }
0xaa: {  	[sflag:s24] =	ssyncset.done $0x0  }
0xab: {  	s25 =	simm.s32 $0x1B8E;
	[sflag:s24] =	ssyncadd.s32 $0xFFFFFFFF  }
0xac: {  	s26 =	simm.s32 $execute0_lowered;
	[smem:$0x3FD2] =	sst s25  }
0xad: {  	s6 =	sshll.u32 s26, $0x1;
	_ =	strace $0x80000046;
	[dreg:$0x1] =	wrdreg $0xFFFFFFFF  }
0xae: {  	s28 =	simm.s32 $_size_execute0_lowered;
	s5 =	sadd.s32 s5, s6;
	[dreg:$0x0] =	wrdreg $0x0  }
0xaf: {  	s6 =	sshll.u32 s28, $0x1;
	[dreg:$0x2] =	wrdreg s5  }
0xb0: {  	[dreg:$0x3] =	wrdreg s6  }
0xb1: {  	[dreg:$0x4] =	wrdreg $0xC0  }
0xb2: {  	_ =	task [dreg:s9], $0x5FFFF  }
0xb3: {  	[dreg:$0x1] =	wrdreg $0xFFFFFFFF  }
0xb4: {  	[dreg:$0x0] =	wrdreg $0x60  }
0xb5: {  	[dreg:$0x2] =	wrdreg s16  }
0xb6: {  	[dreg:$0x3] =	wrdreg s4  }
0xb7: {  	[dreg:$0x4] =	wrdreg s17  }
0xb8: {  	[dreg:$0x5] =	wrdreg $0x9  }
0xb9: {  	_ =	task.clear_ibuf [dreg:s9], $0x6FFFF;
	_ =	strace $0x90000046  }
0xba: {  	s29 =	simm.s32 $0x9;
	_ =	strace $0x80000048  }
0xbb: {  	_ =	swait.ge [sflag:s29], $0x1  }
0xbc: {  	[sflag:s29] =	ssyncadd.s32 $0xFFFFFFFF  }
0xbd: {  	_ =	strace $0x90000048  }
0xbe: {  	_ =	sfence  }
0xbf: {  	s30 =	sld [smem:$0x0];
	_ =	sdelay $0x2  }
0xc0: {  	s31 =	sshll.u32 s1, $0xD;
	s1 =	sshrl.u32 s1, $0x2  }
0xc1: {  	s3 =	sand.u32 $0x4000, s31;
	s1 =	sadd.s32 s1, s30  }
0xc2: {  	s0 =	sor.u32 s3, s0;
	s1 =	sshll.u32 s1, $0x11  }
0xc3: {  	s0 =	sor.u32 s1, s0  }
0xc4: {  	s0 =	sadd.s32 $0x8F2B, s0  }
0xc5: {  	[sflag:s0] =	ssyncadd.remote.s32 $0x1  }
0xc6: {  	_ =	sfence.sel $0xFFFF  }
0xc7: {  	[dreg:$0x0] =	wrdreg $0xFFFFFFFF;
	(pc) =	sbr.abs _section_cstart, $3  }
0xc8: {  	[dreg:$0x1] =	wrdreg $0xFFFFFFFF  }
0xc9: {  	_ =	task.clear_ibuf [dreg:s9], $0x2FFFF;
	_ =	strace $0x9FFFFFFF  }
0xca: {  	(tm) =	ssettm $0x7FFFFFFF  }
0xcb: {  	_ =	shalt  }
tec
execute0_lowered:
.L_overlay_start_1:
0x0: {  	(tag) =	ssettag $0x1  }
0x1: {  	s4 =	rddreg [dreg:$0x0]  }
0x2: {  	s1 =	rddreg [dreg:$0x1]  }
0x3: {  	s5 =	rddreg [dreg:$0x2]  }
0x4: {  	s0 =	rddreg [dreg:$0x3];
	s3 =	simm.s32 $0x0;
	s6 =	srdreg.scid  }
0x5: {  	s2 =	stileid.u32;
	s10 =	simm.s32 $0x4000;
	s11 =	simm.s32 $0x1  }
0x6: {  	s12 =	simm.s32 $0x2;
	s13 =	simm.s32 $0x4080;
	s14 =	simm.s32 $0x5080  }
0x7: {  	s15 =	simm.s32 $0x6080;
	s16 =	simm.s32 $0x7080;
	s6 =	sand.u32 $0x1, s6  }
0x8: {  	s8 =	sshll.u32 s2, $0xC;
	s7 =	ssub.s32 $0x2, s6;
	s6 =	sshll.u32 s6, $0xB  }
0x9: {  	s17 =	simm.s32 $0x0;
	[smem:$0x7FF] =	sst s3;
	s6 =	sor.u32 s6, s8  }
0xa: {  	_ =	strace $0x80000047;
	s9 =	sshrl.u32 s7, $0x1;
	s5 =	sadd.s32 s5, s6  }
0xb: {  	s9 =	ssub.s32 s7, s9;
	s4 =	sadd.s32 s4, s6;
	s6 =	sadd.s32 $0x200, s5  }
0xc: {  	s7 =	sadd.s32 $0x400, s5;
	s8 =	sadd.s32 $0x600, s5;
	s9 =	smax.u32 s9, $0x1  }
.LBB2_1:
0xd: {  	[tilespmem:s10], [sflag:$0x1] =	stream.linear.gather [hbm4b:s1+s3], $0x80, $0x38;
	[tilespmem:$0x8080] =	vst v63  }
0xe: {  	_ = 	snop  }
0xf: {  	[tilespmem:s3], [sflag:$0x2] =	stream.linear.gather [hbm4b:s4+s3], $0x4000, $0x38;
	[tilespmem:$0x8080] =	vst v63  }
0x10: {  	_ =	swait.ge [sflag:s11], $0x80  }
0x11: {  	[sflag:s11] =	ssyncset.done $0x0  }
0x12: {  	[sflag:s11] =	ssyncadd.s32 $0xFFFFFF80  }
0x13: {  	_ =	swait.ge [sflag:s12], $0x4000  }
0x14: {  	[sflag:s12] =	ssyncset.done $0x0  }
0x15: {  	s18 =	simm.s32 $0x40;
	[sflag:s12] =	ssyncadd.s32 $0xFFFFC000  }
0x16: {  	v0 =	vld [tilespmem:s18+$0x30]  }
0x17: {  	v1 =	vld [tilespmem:s18+$0xFFFFFFD0]  }
0x18: {  	v2 =	vld [tilespmem:s18+$0xFFFFFFE0]  }
0x19: {  	v3 =	vld [tilespmem:s18+$0xFFFFFFF0]  }
0x1a: {  	v4 =	vld [tilespmem:s18+$0x0]  }
0x1b: {  	v6 =	vld [tilespmem:s18+$0x10]  }
0x1c: {  	v7 =	vld [tilespmem:s18+$0x20]  }
0x1d: {  	v8 =	vld [tilespmem:s18+$0xFFFFFFC0]  }
0x1e: {  	v9 =	vld.idx.msk [tilespmem:v0+s10+$0x0], $0xffff  }
0x1f: {  	v10 =	vld.idx.msk [tilespmem:v1+s10+$0x0], $0xffff  }
0x20: {  	v5 =	vld.idx.msk [tilespmem:v2+s10+$0x0], $0xffff  }
0x21: {  	v3 =	vld.idx.msk [tilespmem:v3+s10+$0x0], $0xffff  }
0x22: {  	v0 =	vld.idx.msk [tilespmem:v4+s10+$0x0], $0xffff  }
0x23: {  	s18 =	simm.s32 $0x40C0;
	v1 =	vld.idx.msk [tilespmem:v6+s10+$0x0], $0xffff  }
0x24: {  	v2 =	vld.idx.msk [tilespmem:v7+s10+$0x0], $0xffff;
	[tilespmem:s18+$0x30] =	vst v9  }
0x25: {  	s19 =	simm.s32 $0x0;
	s20 =	simm.s32 $0xC0;
	v4 =	vld.idx.msk [tilespmem:v8+s10+$0x0], $0xffff;
	[tilespmem:s18+$0xFFFFFFD0] =	vst v10  }
.LBB2_2:
0x26: {  	v6 =	vld [tilespmem:s20+$0x30];
	s19 =	sadd.s32 $0x80, s19;
	[tilespmem:s18+$0xFFFFFFE0] =	vst v5  }
0x27: {  	v5 =	vld [tilespmem:s20+$0xFFFFFFD0];
	p0 =	slt.u32 s19, $0xF80;
	[tilespmem:s18+$0xFFFFFFF0] =	vst v3  }
0x28: {  	v3 =	vld [tilespmem:s20+$0xFFFFFFE0];
	[tilespmem:s18+$0x0] =	vst v0  }
0x29: {  	v0 =	vld [tilespmem:s20+$0xFFFFFFF0];
	[tilespmem:s18+$0x10] =	vst v1  }
0x2a: {  	v1 =	vld [tilespmem:s20+$0x0];
	[tilespmem:s18+$0x20] =	vst v2  }
0x2b: {  	v2 =	vld [tilespmem:s20+$0x10];
	[tilespmem:s18+$0xFFFFFFC0] =	vst v4  }
0x2c: {  	v4 =	vld [tilespmem:s20+$0x20]  }
0x2d: {  	v7 =	vld [tilespmem:s20+$0xFFFFFFC0]  }
0x2e: {  	v6 =	vld.idx.msk [tilespmem:v6+s10+$0x0], $0xffff  }
0x2f: {  	v8 =	vld.idx.msk [tilespmem:v5+s10+$0x0], $0xffff  }
0x30: {  	v5 =	vld.idx.msk [tilespmem:v3+s10+$0x0], $0xffff  }
.Ltmp0:
0x31: {  	v3 =	vld.idx.msk [tilespmem:v0+s10+$0x0], $0xffff;
	(pc) =	sbr.rel @p0 .LBB2_2-.Ltmp0, $4  }
0x32: {  	v0 =	vld.idx.msk [tilespmem:v1+s10+$0x0], $0xffff  }
0x33: {  	s18 =	sadd.s32 $0x80, s18;
	v1 =	vld.idx.msk [tilespmem:v2+s10+$0x0], $0xffff  }
0x34: {  	v2 =	vld.idx.msk [tilespmem:v4+s10+$0x0], $0xffff;
	[tilespmem:s18+$0x30] =	vst v6  }
0x35: {  	s20 =	sadd.s32 $0x80, s20;
	v4 =	vld.idx.msk [tilespmem:v7+s10+$0x0], $0xffff;
	[tilespmem:s18+$0xFFFFFFD0] =	vst v8  }
0x36: {  	[tilespmem:s18+$0xFFFFFFE0] =	vst v5  }
0x37: {  	[tilespmem:s18+$0xFFFFFFF0] =	vst v3  }
0x38: {  	[tilespmem:s18+$0x0] =	vst v0  }
0x39: {  	[tilespmem:s18+$0x10] =	vst v1  }
0x3a: {  	[tilespmem:s18+$0x20] =	vst v2  }
0x3b: {  	s31 =	simm.s32 $0x1070;
	[tilespmem:s18+$0xFFFFFFC0] =	vst v4  }
0x3c: {  	[hbm4b:s5+s3] =	stream.linear.scatter [tilespmem:s13], [sflag:$0x2], $0x1000, $0x38;
	[tilespmem:$0x8080] =	vst v63  }
0x3d: {  	v0 =	vld [tilespmem:s31+$0x0]  }
0x3e: {  	v1 =	vld [tilespmem:s31+$0xFFFFFFA0]  }
0x3f: {  	v2 =	vld [tilespmem:s31+$0xFFFFFFB0]  }
0x40: {  	v3 =	vld [tilespmem:s31+$0xFFFFFFC0]  }
0x41: {  	v4 =	vld [tilespmem:s31+$0xFFFFFFD0]  }
0x42: {  	v6 =	vld [tilespmem:s31+$0xFFFFFFE0]  }
0x43: {  	v7 =	vld [tilespmem:s31+$0xFFFFFFF0]  }
0x44: {  	v8 =	vld [tilespmem:s31+$0xFFFFFF90]  }
0x45: {  	v9 =	vld.idx.msk [tilespmem:v0+s10+$0x0], $0xffff  }
0x46: {  	v10 =	vld.idx.msk [tilespmem:v1+s10+$0x0], $0xffff  }
0x47: {  	v5 =	vld.idx.msk [tilespmem:v2+s10+$0x0], $0xffff  }
0x48: {  	v3 =	vld.idx.msk [tilespmem:v3+s10+$0x0], $0xffff  }
0x49: {  	v0 =	vld.idx.msk [tilespmem:v4+s10+$0x0], $0xffff  }
0x4a: {  	s18 =	simm.s32 $0x50F0;
	v1 =	vld.idx.msk [tilespmem:v6+s10+$0x0], $0xffff  }
0x4b: {  	v2 =	vld.idx.msk [tilespmem:v7+s10+$0x0], $0xffff;
	[tilespmem:s18+$0x0] =	vst v9  }
0x4c: {  	s19 =	simm.s32 $0x1000;
	s20 =	simm.s32 $0x10F0;
	v4 =	vld.idx.msk [tilespmem:v8+s10+$0x0], $0xffff;
	[tilespmem:s18+$0xFFFFFFA0] =	vst v10  }
.LBB2_4:
0x4d: {  	v6 =	vld [tilespmem:s20+$0x0];
	s19 =	sadd.s32 $0x80, s19;
	[tilespmem:s18+$0xFFFFFFB0] =	vst v5  }
0x4e: {  	v5 =	vld [tilespmem:s20+$0xFFFFFFA0];
	p0 =	slt.u32 s19, $0x1F80;
	[tilespmem:s18+$0xFFFFFFC0] =	vst v3  }
0x4f: {  	v3 =	vld [tilespmem:s20+$0xFFFFFFB0];
	[tilespmem:s18+$0xFFFFFFD0] =	vst v0  }
0x50: {  	v0 =	vld [tilespmem:s20+$0xFFFFFFC0];
	[tilespmem:s18+$0xFFFFFFE0] =	vst v1  }
0x51: {  	v1 =	vld [tilespmem:s20+$0xFFFFFFD0];
	[tilespmem:s18+$0xFFFFFFF0] =	vst v2  }
0x52: {  	v2 =	vld [tilespmem:s20+$0xFFFFFFE0];
	[tilespmem:s18+$0xFFFFFF90] =	vst v4  }
0x53: {  	v4 =	vld [tilespmem:s20+$0xFFFFFFF0]  }
0x54: {  	v7 =	vld [tilespmem:s20+$0xFFFFFF90]  }
0x55: {  	v6 =	vld.idx.msk [tilespmem:v6+s10+$0x0], $0xffff  }
0x56: {  	v8 =	vld.idx.msk [tilespmem:v5+s10+$0x0], $0xffff  }
0x57: {  	v5 =	vld.idx.msk [tilespmem:v3+s10+$0x0], $0xffff  }
.Ltmp1:
0x58: {  	v3 =	vld.idx.msk [tilespmem:v0+s10+$0x0], $0xffff;
	(pc) =	sbr.rel @p0 .LBB2_4-.Ltmp1, $4  }
0x59: {  	v0 =	vld.idx.msk [tilespmem:v1+s10+$0x0], $0xffff  }
0x5a: {  	s18 =	sadd.s32 $0x80, s18;
	v1 =	vld.idx.msk [tilespmem:v2+s10+$0x0], $0xffff  }
0x5b: {  	v2 =	vld.idx.msk [tilespmem:v4+s10+$0x0], $0xffff;
	[tilespmem:s18+$0x0] =	vst v6  }
0x5c: {  	s20 =	sadd.s32 $0x80, s20;
	v4 =	vld.idx.msk [tilespmem:v7+s10+$0x0], $0xffff;
	[tilespmem:s18+$0xFFFFFFA0] =	vst v8  }
0x5d: {  	[tilespmem:s18+$0xFFFFFFB0] =	vst v5  }
0x5e: {  	[tilespmem:s18+$0xFFFFFFC0] =	vst v3  }
0x5f: {  	[tilespmem:s18+$0xFFFFFFD0] =	vst v0  }
0x60: {  	[tilespmem:s18+$0xFFFFFFE0] =	vst v1  }
0x61: {  	[tilespmem:s18+$0xFFFFFFF0] =	vst v2  }
0x62: {  	s31 =	simm.s32 $0x2070;
	[tilespmem:s18+$0xFFFFFF90] =	vst v4  }
0x63: {  	[hbm4b:s6+s3] =	stream.linear.scatter [tilespmem:s14], [sflag:$0x2], $0x1000, $0x38;
	[tilespmem:$0x8080] =	vst v63  }
0x64: {  	v0 =	vld [tilespmem:s31+$0x0]  }
0x65: {  	v1 =	vld [tilespmem:s31+$0xFFFFFFA0]  }
0x66: {  	v2 =	vld [tilespmem:s31+$0xFFFFFFB0]  }
0x67: {  	v3 =	vld [tilespmem:s31+$0xFFFFFFC0]  }
0x68: {  	v4 =	vld [tilespmem:s31+$0xFFFFFFD0]  }
0x69: {  	v6 =	vld [tilespmem:s31+$0xFFFFFFE0]  }
0x6a: {  	v7 =	vld [tilespmem:s31+$0xFFFFFFF0]  }
0x6b: {  	v8 =	vld [tilespmem:s31+$0xFFFFFF90]  }
0x6c: {  	v9 =	vld.idx.msk [tilespmem:v0+s10+$0x0], $0xffff  }
0x6d: {  	v10 =	vld.idx.msk [tilespmem:v1+s10+$0x0], $0xffff  }
0x6e: {  	v5 =	vld.idx.msk [tilespmem:v2+s10+$0x0], $0xffff  }
0x6f: {  	v3 =	vld.idx.msk [tilespmem:v3+s10+$0x0], $0xffff  }
0x70: {  	v0 =	vld.idx.msk [tilespmem:v4+s10+$0x0], $0xffff  }
0x71: {  	s18 =	simm.s32 $0x60F0;
	v1 =	vld.idx.msk [tilespmem:v6+s10+$0x0], $0xffff  }
0x72: {  	v2 =	vld.idx.msk [tilespmem:v7+s10+$0x0], $0xffff;
	[tilespmem:s18+$0x0] =	vst v9  }
0x73: {  	s19 =	simm.s32 $0x2000;
	s20 =	simm.s32 $0x20F0;
	v4 =	vld.idx.msk [tilespmem:v8+s10+$0x0], $0xffff;
	[tilespmem:s18+$0xFFFFFFA0] =	vst v10  }
.LBB2_6:
0x74: {  	v6 =	vld [tilespmem:s20+$0x0];
	s19 =	sadd.s32 $0x80, s19;
	[tilespmem:s18+$0xFFFFFFB0] =	vst v5  }
0x75: {  	v5 =	vld [tilespmem:s20+$0xFFFFFFA0];
	p0 =	slt.u32 s19, $0x2F80;
	[tilespmem:s18+$0xFFFFFFC0] =	vst v3  }
0x76: {  	v3 =	vld [tilespmem:s20+$0xFFFFFFB0];
	[tilespmem:s18+$0xFFFFFFD0] =	vst v0  }
0x77: {  	v0 =	vld [tilespmem:s20+$0xFFFFFFC0];
	[tilespmem:s18+$0xFFFFFFE0] =	vst v1  }
0x78: {  	v1 =	vld [tilespmem:s20+$0xFFFFFFD0];
	[tilespmem:s18+$0xFFFFFFF0] =	vst v2  }
0x79: {  	v2 =	vld [tilespmem:s20+$0xFFFFFFE0];
	[tilespmem:s18+$0xFFFFFF90] =	vst v4  }
0x7a: {  	v4 =	vld [tilespmem:s20+$0xFFFFFFF0]  }
0x7b: {  	v7 =	vld [tilespmem:s20+$0xFFFFFF90]  }
0x7c: {  	v6 =	vld.idx.msk [tilespmem:v6+s10+$0x0], $0xffff  }
0x7d: {  	v8 =	vld.idx.msk [tilespmem:v5+s10+$0x0], $0xffff  }
0x7e: {  	v5 =	vld.idx.msk [tilespmem:v3+s10+$0x0], $0xffff  }
.Ltmp2:
0x7f: {  	v3 =	vld.idx.msk [tilespmem:v0+s10+$0x0], $0xffff;
	(pc) =	sbr.rel @p0 .LBB2_6-.Ltmp2, $4  }
0x80: {  	v0 =	vld.idx.msk [tilespmem:v1+s10+$0x0], $0xffff  }
0x81: {  	s18 =	sadd.s32 $0x80, s18;
	v1 =	vld.idx.msk [tilespmem:v2+s10+$0x0], $0xffff  }
0x82: {  	v2 =	vld.idx.msk [tilespmem:v4+s10+$0x0], $0xffff;
	[tilespmem:s18+$0x0] =	vst v6  }
0x83: {  	s20 =	sadd.s32 $0x80, s20;
	v4 =	vld.idx.msk [tilespmem:v7+s10+$0x0], $0xffff;
	[tilespmem:s18+$0xFFFFFFA0] =	vst v8  }
0x84: {  	[tilespmem:s18+$0xFFFFFFB0] =	vst v5  }
0x85: {  	[tilespmem:s18+$0xFFFFFFC0] =	vst v3  }
0x86: {  	[tilespmem:s18+$0xFFFFFFD0] =	vst v0  }
0x87: {  	[tilespmem:s18+$0xFFFFFFE0] =	vst v1  }
0x88: {  	[tilespmem:s18+$0xFFFFFFF0] =	vst v2  }
0x89: {  	s31 =	simm.s32 $0x3070;
	[tilespmem:s18+$0xFFFFFF90] =	vst v4  }
0x8a: {  	[hbm4b:s7+s3] =	stream.linear.scatter [tilespmem:s15], [sflag:$0x2], $0x1000, $0x38;
	[tilespmem:$0x8080] =	vst v63  }
0x8b: {  	v0 =	vld [tilespmem:s31+$0x0]  }
0x8c: {  	v1 =	vld [tilespmem:s31+$0xFFFFFFA0]  }
0x8d: {  	v2 =	vld [tilespmem:s31+$0xFFFFFFB0]  }
0x8e: {  	v3 =	vld [tilespmem:s31+$0xFFFFFFC0]  }
0x8f: {  	v4 =	vld [tilespmem:s31+$0xFFFFFFD0]  }
0x90: {  	v6 =	vld [tilespmem:s31+$0xFFFFFFE0]  }
0x91: {  	v7 =	vld [tilespmem:s31+$0xFFFFFFF0]  }
0x92: {  	v8 =	vld [tilespmem:s31+$0xFFFFFF90]  }
0x93: {  	v9 =	vld.idx.msk [tilespmem:v0+s10+$0x0], $0xffff  }
0x94: {  	v10 =	vld.idx.msk [tilespmem:v1+s10+$0x0], $0xffff  }
0x95: {  	v5 =	vld.idx.msk [tilespmem:v2+s10+$0x0], $0xffff  }
0x96: {  	v3 =	vld.idx.msk [tilespmem:v3+s10+$0x0], $0xffff  }
0x97: {  	v0 =	vld.idx.msk [tilespmem:v4+s10+$0x0], $0xffff  }
0x98: {  	s18 =	simm.s32 $0x70F0;
	v1 =	vld.idx.msk [tilespmem:v6+s10+$0x0], $0xffff  }
0x99: {  	v2 =	vld.idx.msk [tilespmem:v7+s10+$0x0], $0xffff;
	[tilespmem:s18+$0x0] =	vst v9  }
0x9a: {  	s19 =	simm.s32 $0x3000;
	s20 =	simm.s32 $0x30F0;
	v4 =	vld.idx.msk [tilespmem:v8+s10+$0x0], $0xffff;
	[tilespmem:s18+$0xFFFFFFA0] =	vst v10  }
.LBB2_8:
0x9b: {  	v6 =	vld [tilespmem:s20+$0x0];
	s19 =	sadd.s32 $0x80, s19;
	[tilespmem:s18+$0xFFFFFFB0] =	vst v5  }
0x9c: {  	v5 =	vld [tilespmem:s20+$0xFFFFFFA0];
	p0 =	slt.u32 s19, $0x3F80;
	[tilespmem:s18+$0xFFFFFFC0] =	vst v3  }
0x9d: {  	v3 =	vld [tilespmem:s20+$0xFFFFFFB0];
	[tilespmem:s18+$0xFFFFFFD0] =	vst v0  }
0x9e: {  	v0 =	vld [tilespmem:s20+$0xFFFFFFC0];
	[tilespmem:s18+$0xFFFFFFE0] =	vst v1  }
0x9f: {  	v1 =	vld [tilespmem:s20+$0xFFFFFFD0];
	[tilespmem:s18+$0xFFFFFFF0] =	vst v2  }
0xa0: {  	v2 =	vld [tilespmem:s20+$0xFFFFFFE0];
	[tilespmem:s18+$0xFFFFFF90] =	vst v4  }
0xa1: {  	v4 =	vld [tilespmem:s20+$0xFFFFFFF0]  }
0xa2: {  	v7 =	vld [tilespmem:s20+$0xFFFFFF90]  }
0xa3: {  	v6 =	vld.idx.msk [tilespmem:v6+s10+$0x0], $0xffff  }
0xa4: {  	v8 =	vld.idx.msk [tilespmem:v5+s10+$0x0], $0xffff  }
0xa5: {  	v5 =	vld.idx.msk [tilespmem:v3+s10+$0x0], $0xffff  }
.Ltmp3:
0xa6: {  	v3 =	vld.idx.msk [tilespmem:v0+s10+$0x0], $0xffff;
	(pc) =	sbr.rel @p0 .LBB2_8-.Ltmp3, $4  }
0xa7: {  	v0 =	vld.idx.msk [tilespmem:v1+s10+$0x0], $0xffff  }
0xa8: {  	s18 =	sadd.s32 $0x80, s18;
	v1 =	vld.idx.msk [tilespmem:v2+s10+$0x0], $0xffff  }
0xa9: {  	v2 =	vld.idx.msk [tilespmem:v4+s10+$0x0], $0xffff;
	[tilespmem:s18+$0x0] =	vst v6  }
0xaa: {  	s20 =	sadd.s32 $0x80, s20;
	v4 =	vld.idx.msk [tilespmem:v7+s10+$0x0], $0xffff;
	[tilespmem:s18+$0xFFFFFFA0] =	vst v8  }
0xab: {  	[tilespmem:s18+$0xFFFFFFB0] =	vst v5  }
0xac: {  	[tilespmem:s18+$0xFFFFFFC0] =	vst v3  }
0xad: {  	[tilespmem:s18+$0xFFFFFFD0] =	vst v0  }
0xae: {  	[tilespmem:s18+$0xFFFFFFE0] =	vst v1  }
0xaf: {  	[tilespmem:s18+$0xFFFFFFF0] =	vst v2  }
0xb0: {  	[tilespmem:s18+$0xFFFFFF90] =	vst v4  }
0xb1: {  	[hbm4b:s8+s3] =	stream.linear.scatter [tilespmem:s16], [sflag:$0x2], $0x1000, $0x38;
	[tilespmem:$0x8080] =	vst v63  }
0xb2: {  	_ =	swait.ge [sflag:s12], $0x1000  }
0xb3: {  	[sflag:s12] =	ssyncset.done $0x0  }
0xb4: {  	[sflag:s12] =	ssyncadd.s32 $0xFFFFF000  }
0xb5: {  	_ =	swait.ge [sflag:s12], $0x1000  }
0xb6: {  	[sflag:s12] =	ssyncset.done $0x0  }
0xb7: {  	s17 =	sadd.s32 $0x1, s17;
	[sflag:s12] =	ssyncadd.s32 $0xFFFFF000  }
0xb8: {  	p0 =	sne.s32 s17, s9;
	_ =	swait.ge [sflag:s12], $0x1000  }
.Ltmp4:
0xb9: {  	[sflag:s12] =	ssyncset.done $0x0;
	(pc) =	sbr.rel @p0 .LBB2_1-.Ltmp4, $4  }
0xba: {  	[sflag:s12] =	ssyncadd.s32 $0xFFFFF000  }
0xbb: {  	_ =	swait.ge [sflag:s12], $0x1000  }
0xbc: {  	[sflag:s12] =	ssyncset.done $0x0  }
0xbd: {  	[sflag:s12] =	ssyncadd.s32 $0xFFFFF000  }
0xbe: {  	_ =	sfence.sel $0x180000  }
0xbf: {  	[bflag:$0x0] =	sbarrier.arrive $0xFFFF  }
0xc0: {  	p0 =	sne.s32 s2, $0x0;
	_ =	strace $0x90000047  }
0xc1: {  	s0 =	sadd.s32 @!p0 $0x100000, s0;
	[bflag:$0x2] =	sbarrier.arrive $0xFFFF  }
0xc2: {  	[sflag:s0] =	ssyncadd.tile.s32 @!p0 $0x1;
	_ =	shalt  }
.Lfunc_end2:
_tile_overlayer_lowered:
.L_overlay_start_2:
0xc3: {  	(tag) =	ssettag $0x2  }
0xc4: {  	s0 =	rddreg [dreg:$0x0];
	s2 =	stileid.u32  }
0xc5: {  	s1 =	rddreg [dreg:$0x1];
	p0 =	sne.s32 s2, $0x0  }
0xc6: {  	s3 =	rddreg [dreg:$0x2];
	[bflag:$0x3] =	sbarrier.arrive $0xFFFF;
	s2 =	simm.s32 @!p0 $0x1C03  }
0xc7: {  	[timem:s3], [sflag:s2] =	dma.local @!p0 [hbm:s0], s1  }
0xc8: {  	s0 =	simm.s32 @!p0 $0x3  }
0xc9: {  	_ =	swait.ge @!p0 [sflag:s0], s1  }
0xca: {  	s1 =	ssub.s32 @!p0 $0x0, s1;
	[sflag:s0] =	ssyncset.done @!p0 $0x0  }
0xcb: {  	[sflag:s0] =	ssyncadd.s32 @!p0 s1  }
0xcc: {  	[bflag:$0x3] =	sbarrier.arrive $0xFFFF  }
0xcd: {  	_ =	shalt  }

</sc_bundles>
